<compile_context>
chip_gen: v7x
topology: tpu7x:2x2x1
jax: 0.10.2.dev20260603
libtpu: 0.0.44.dev20260713+nightly
codegen_flags: <defaults>
</compile_context>

<pallas_src>
import functools

import jax
import jax.numpy as jnp
from jax import lax
from jax.experimental import pallas as pl
from jax.experimental.pallas import tpu as pltpu
from jax.experimental.pallas import tpu_sc as plsc

VOCAB = 1000000
EMBED = 64
B = 16384
L = 50

try:
    _info = plsc.get_sparse_core_info()
    _NC, _NS = _info.num_cores, _info.num_subcores
except Exception:
    _NC, _NS = 2, 16
_NW = _NC * _NS
_BPW = B // _NW


_DEPTH = 4


def _bag_body(text_hbm, emb_hbm, out_hbm, raw_v, idx_v, acc_v, sem):
    wid = lax.axis_index("s") * _NC + lax.axis_index("c")
    base = wid * _BPW

    pltpu.sync_copy(text_hbm.at[pl.ds(base, _BPW), :], raw_v)

    lanes = lax.iota(jnp.int32, 16)

    def transp_j(j):
        col = jnp.full((16,), 0, jnp.int32) + j

        def transp_g(g, carry2):
            vals = plsc.load_gather(raw_v, [lanes + g * 16, col])
            idx_v[pl.ds(j * _BPW + g * 16, 16)] = vals
            return carry2

        lax.fori_loop(0, _BPW // 16, transp_g, 0)

    def drain_one():
        pltpu.make_async_copy(emb_hbm.at[pl.ds(0, _BPW)], acc_v, sem).wait()

    transp_j(0)
    pltpu.async_copy(emb_hbm.at[idx_v.at[pl.ds(0, _BPW)]], acc_v, sem).wait()

    def body(j, carry):
        transp_j(j)
        pltpu.async_copy(
            emb_hbm.at[idx_v.at[pl.ds(j * _BPW, _BPW)]], acc_v, sem, add=True
        )

        @pl.when(j >= _DEPTH + 1)
        def _():
            drain_one()

        return carry

    lax.fori_loop(1, L, body, 0)
    for _ in range(_DEPTH):
        drain_one()
    pltpu.sync_copy(acc_v, out_hbm.at[pl.ds(base, _BPW)])


@jax.jit
def _bag(text2d, emb):
    mesh = plsc.VectorSubcoreMesh(core_axis_name="c", subcore_axis_name="s")
    return pl.kernel(
        _bag_body,
        out_type=jax.ShapeDtypeStruct((B, EMBED), jnp.float32),
        mesh=mesh,
        scratch_types=[
            pltpu.VMEM((_BPW, 128), jnp.int32),
            pltpu.VMEM((L * _BPW,), jnp.int32),
            pltpu.VMEM((_BPW, EMBED), jnp.float32),
            pltpu.SemaphoreType.DMA,
        ],
        compiler_params=pltpu.CompilerParams(
            use_tc_tiling_on_sc=False, needs_layout_passes=False
        ),
    )(text2d, emb)


_BLK = 4096


def _mlp_body(x_ref, w1_ref, b1_ref, w2_ref, b2_ref, w3_ref, b3_ref, o_ref):
    x = x_ref[...] * (1.0 / L)
    h = jnp.dot(x, w1_ref[...], preferred_element_type=jnp.float32) + b1_ref[...]
    h = jnp.maximum(h, 0.0)
    h = jnp.dot(h, w2_ref[...], preferred_element_type=jnp.float32) + b2_ref[...]
    h = jnp.maximum(h, 0.0)
    o_ref[...] = (
        jnp.dot(h, w3_ref[...], preferred_element_type=jnp.float32) + b3_ref[...]
    )


@jax.jit
def _mlp(sums, w1t, b1, w2t, b2, w3t, b3):
    grid = (B // _BLK,)
    return pl.pallas_call(
        _mlp_body,
        grid=grid,
        in_specs=[
            pl.BlockSpec((_BLK, EMBED), lambda i: (i, 0)),
            pl.BlockSpec((EMBED, EMBED), lambda i: (0, 0)),
            pl.BlockSpec((1, EMBED), lambda i: (0, 0)),
            pl.BlockSpec((EMBED, EMBED // 2), lambda i: (0, 0)),
            pl.BlockSpec((1, EMBED // 2), lambda i: (0, 0)),
            pl.BlockSpec((EMBED // 2, 1), lambda i: (0, 0)),
            pl.BlockSpec((1, 1), lambda i: (0, 0)),
        ],
        out_specs=pl.BlockSpec((_BLK, 1), lambda i: (i, 0)),
        out_shape=jax.ShapeDtypeStruct((B, 1), jnp.float32),
    )(sums, w1t, b1, w2t, b2, w3t, b3)


def kernel(text, emb, W1, b1, W2, b2, W3, b3):
    text_p = jnp.pad(text.astype(jnp.int32), ((0, 0), (0, 128 - L)))
    sums = _bag(text_p, emb)
    out = _mlp(
        sums,
        jnp.transpose(W1),
        b1.reshape(1, EMBED),
        jnp.transpose(W2),
        b2.reshape(1, EMBED // 2),
        jnp.transpose(W3),
        b3.reshape(1, 1),
    )
    return jnp.squeeze(out, axis=-1)

# --- scband reference (transcript-rebuilt; emitter-appended) ---
"""Pipeline reference for scband-text-classification-model-85091892068761 (READ-ONLY COPY).

The authoritative reference and input builder live on the scoring server;
editing this copy changes nothing except your own understanding.
"""

import jax, jax.numpy as jnp
import numpy as np

VOCAB = 1000000
EMBED = 64
B = 16384
L = 50

def setup_inputs(seed: int = 0) -> dict:
    key = jax.random.key(seed)
    k_text, k_emb, k_w1, k_w2, k_w3 = jax.random.split(key, 5)
    text = jax.random.randint(k_text, (B, L), 0, VOCAB, dtype=jnp.int64) if jax.config.jax_enable_x64 else jax.random.randint(k_text, (B, L), 0, VOCAB, dtype=jnp.int32)
    initrange = 0.5
    emb = jax.random.uniform(k_emb, (VOCAB, EMBED), minval=-initrange, maxval=initrange, dtype=jnp.float32)
    W1 = jax.random.uniform(k_w1, (EMBED, EMBED), minval=-initrange, maxval=initrange, dtype=jnp.float32)
    b1 = jnp.zeros((EMBED,), dtype=jnp.float32)
    W2 = jax.random.uniform(k_w2, (EMBED // 2, EMBED), minval=-initrange, maxval=initrange, dtype=jnp.float32)
    b2 = jnp.zeros((EMBED // 2,), dtype=jnp.float32)
    W3 = jax.random.uniform(k_w3, (1, EMBED // 2), minval=-initrange, maxval=initrange, dtype=jnp.float32)
    b3 = jnp.zeros((1,), dtype=jnp.float32)
    return {"text": text, "emb": emb, "W1": W1, "b1": b1, "W2": W2, "b2": b2, "W3": W3, "b3": b3}

def reference(text, emb, W1, b1, W2, b2, W3, b3):
    # nn.EmbeddingBag default mode='mean' on [B, L] input: gather then mean over L
    gathered = jnp.take(emb, text, axis=0)          # [B, L, E]
    embedded = jnp.mean(gathered, axis=1)            # [B, E]
    # dropout omitted (deterministic reference; scales/masks are stochastic in torch)
    latent = jax.nn.relu(embedded @ W1.T + b1)
    out = jax.nn.relu(latent @ W2.T + b2)
    out = out @ W3.T + b3                            # [B, 1]
    return jnp.squeeze(out, axis=-1)                 # [B]

if __name__ == "__main__":
    import jax
    _d = setup_inputs()
    print(jax.jit(kernel)(*tuple(_d.values())))

</pallas_src>

<mosaic_0001>
#map = affine_map<(d0, d1) -> (0, 0)>
module attributes {stable_mosaic.version = 14 : i64} {
  func.func @_bag_body(%arg0: i32, %arg1: i32, %arg2: memref<16384x128xi32, #tpu.memory_space<hbm>>, %arg3: memref<1000000x64xf32, #tpu.memory_space<hbm>>, %arg4: memref<16384x64xf32, #tpu.memory_space<hbm>>, %arg5: memref<512x128xi32, #tpu.memory_space<vmem>>, %arg6: memref<25600xi32, #tpu.memory_space<vmem>>, %arg7: memref<512x64xf32, #tpu.memory_space<vmem>>, %arg8: memref<!tpu.dma_semaphore, #tpu.memory_space<semaphore_mem>>) attributes {dimension_semantics = [#tpu.dimension_semantics<core_parallel>, #tpu.dimension_semantics<subcore_parallel>], iteration_bounds = array<i64: 2, 16>, scalar_prefetch = 0 : i64, scratch_operands = 4 : i64, tpu.core_type = #tpu.core_type<sc_vector_subcore>, window_params = [{transform_indices = #map}, {transform_indices = #map}, {transform_indices = #map}]} {
    %mul3A = arith.constant 2 : i32
    %mul3A_0 = arith.muli %arg1, %mul3A : i32
    %add3A = arith.addi %mul3A_0, %arg0 : i32
    %mul3A_1 = arith.constant 512 : i32
    %mul3A_2 = arith.muli %add3A, %mul3A_1 : i32
    "tpu.region"() ({
      %run_scoped3A = tpu.sem_alloc : memref<!tpu.dma_semaphore, #tpu.memory_space<semaphore_mem>>
      %dma_start3A_50 = arith.constant 0 : i32
      %dma_start3A_51 = tpu.memref_slice %arg2[%mul3A_2, %dma_start3A_50] : memref<16384x128xi32, #tpu.memory_space<hbm>> -> memref<512x128xi32, #tpu.memory_space<hbm>>
      %dma_start3A_52 = arith.constant 0 : i32
      %dma_start3A_53 = tpu.memref_slice %arg2[%mul3A_2, %dma_start3A_52] : memref<16384x128xi32, #tpu.memory_space<hbm>> -> memref<512x128xi32, #tpu.memory_space<hbm>>
      tpu.enqueue_dma source(%dma_start3A_53 : memref<512x128xi32, #tpu.memory_space<hbm>>) target(%arg5 : memref<512x128xi32, #tpu.memory_space<vmem>>) target_semaphore(%run_scoped3A : memref<!tpu.dma_semaphore, #tpu.memory_space<semaphore_mem>>)
      %dma_wait3A_54 = arith.constant 0 : i32
      %dma_wait3A_55 = tpu.memref_slice %arg2[%mul3A_2, %dma_wait3A_54] : memref<16384x128xi32, #tpu.memory_space<hbm>> -> memref<512x128xi32, #tpu.memory_space<hbm>>
      %dma_wait3A_56 = arith.constant 0 : i32
      %dma_wait3A_57 = tpu.memref_slice %arg2[%mul3A_2, %dma_wait3A_56] : memref<16384x128xi32, #tpu.memory_space<hbm>> -> memref<512x128xi32, #tpu.memory_space<hbm>>
      tpu.wait_dma2 semaphore(%run_scoped3A : memref<!tpu.dma_semaphore, #tpu.memory_space<semaphore_mem>>) src(%dma_wait3A_57 : memref<512x128xi32, #tpu.memory_space<hbm>>) dst(%arg5 : memref<512x128xi32, #tpu.memory_space<vmem>>)
      tpu.yield
    }) : () -> ()
    %iota3A = tpu.iota {dimensions = array<i32: 0>} : vector<16xi32>
    %broadcast_in_dim3A = arith.constant 0 : i32
    %broadcast_in_dim3A_3 = vector.broadcast %broadcast_in_dim3A : i32 to vector<16xi32>
    %add3A_4 = arith.constant 0 : i32
    %add3A_5 = vector.broadcast %add3A_4 : i32 to vector<16xi32>
    %add3A_6 = arith.addi %broadcast_in_dim3A_3, %add3A_5 : vector<16xi32>
    %scan3A = arith.constant 0 : i32
    %scan3A_7 = arith.constant 0 : i32
    %scan3A_8 = arith.constant 32 : i32
    %scan3A_9 = arith.addi %scan3A_7, %scan3A_8 : i32
    %scan3A_10 = arith.constant 1 : i32
    scf.for %scan3A_50 = %scan3A_7 to %scan3A_9 step %scan3A_10  : i32 {
      %mul3A_51 = arith.constant 16 : i32
      %mul3A_52 = arith.muli %scan3A_50, %mul3A_51 : i32
      %add3A_53 = vector.broadcast %mul3A_52 : i32 to vector<16xi32>
      %add3A_54 = arith.addi %iota3A, %add3A_53 : vector<16xi32>
      %gather3A = tpu.vector_load_idx %arg5[%add3A_54, %add3A_6] : memref<512x128xi32, #tpu.memory_space<vmem>>[vector<16xi32>, vector<16xi32>], vector<16xi32>,
      %mul3A_55 = arith.constant 16 : i32
      %mul3A_56 = arith.muli %scan3A_50, %mul3A_55 : i32
      %add3A_57 = arith.constant 0 : i32
      %add3A_58 = arith.addi %add3A_57, %mul3A_56 : i32
      %swap3A = arith.index_cast %add3A_58 : i32 to index
      %swap3A_59 = tpu.vector_load %arg6[%swap3A] {strides = array<i32>} : memref<25600xi32, #tpu.memory_space<vmem>>, vector<16xi32>,
      tpu.vector_store %arg6[%swap3A], %gather3A {strides = array<i32>} : memref<25600xi32, #tpu.memory_space<vmem>>, vector<16xi32>,
    }
    %scan3A_11 = arith.constant 32 : i32
    %dma_start3A = arith.constant 0 : i32
    %dma_start3A_12 = tpu.memref_slice %arg6[%dma_start3A] : memref<25600xi32, #tpu.memory_space<vmem>> -> memref<512xi32, #tpu.memory_space<vmem>>
    %dma_start3A_13 = arith.constant 0 : i32
    %dma_start3A_14 = arith.constant 0 : i32
    %dma_start3A_15 = tpu.memref_slice %arg3[%dma_start3A_13, %dma_start3A_14] : memref<1000000x64xf32, #tpu.memory_space<hbm>> -> memref<1000000x64xf32, #tpu.memory_space<hbm>>
    tpu.enqueue_indirect_dma source(%dma_start3A_15 : memref<1000000x64xf32, #tpu.memory_space<hbm>>) target(%arg7 : memref<512x64xf32, #tpu.memory_space<vmem>>) offsets(%dma_start3A_12 : memref<512xi32, #tpu.memory_space<vmem>>) semaphore(%arg8 : memref<!tpu.dma_semaphore, #tpu.memory_space<semaphore_mem>>)
    %dma_wait3A = arith.constant 0 : i32
    %dma_wait3A_16 = tpu.memref_slice %arg6[%dma_wait3A] : memref<25600xi32, #tpu.memory_space<vmem>> -> memref<512xi32, #tpu.memory_space<vmem>>
    %dma_wait3A_17 = arith.constant 0 : i32
    %dma_wait3A_18 = arith.constant 0 : i32
    %dma_wait3A_19 = tpu.memref_slice %arg3[%dma_wait3A_17, %dma_wait3A_18] : memref<1000000x64xf32, #tpu.memory_space<hbm>> -> memref<1000000x64xf32, #tpu.memory_space<hbm>>
    tpu.wait_indirect_dma semaphore(%arg8 : memref<!tpu.dma_semaphore, #tpu.memory_space<semaphore_mem>>) src(%dma_wait3A_19 : memref<1000000x64xf32, #tpu.memory_space<hbm>>) dst(%arg7 : memref<512x64xf32, #tpu.memory_space<vmem>>)
    %scan3A_20 = arith.constant 0 : i32
    %scan3A_21 = arith.constant 1 : i32
    %scan3A_22 = arith.constant 49 : i32
    %scan3A_23 = arith.addi %scan3A_21, %scan3A_22 : i32
    %scan3A_24 = arith.constant 1 : i32
    scf.for %scan3A_50 = %scan3A_21 to %scan3A_23 step %scan3A_24  : i32 {
      %broadcast_in_dim3A_51 = arith.constant 0 : i32
      %broadcast_in_dim3A_52 = vector.broadcast %broadcast_in_dim3A_51 : i32 to vector<16xi32>
      %add3A_53 = vector.broadcast %scan3A_50 : i32 to vector<16xi32>
      %add3A_54 = arith.addi %broadcast_in_dim3A_52, %add3A_53 : vector<16xi32>
      %scan3A_55 = arith.constant 0 : i32
      %scan3A_56 = arith.constant 0 : i32
      %scan3A_57 = arith.constant 32 : i32
      %scan3A_58 = arith.addi %scan3A_56, %scan3A_57 : i32
      %scan3A_59 = arith.constant 1 : i32
      scf.for %scan3A_69 = %scan3A_56 to %scan3A_58 step %scan3A_59  : i32 {
        %mul3A_70 = arith.constant 16 : i32
        %mul3A_71 = arith.muli %scan3A_69, %mul3A_70 : i32
        %add3A_72 = vector.broadcast %mul3A_71 : i32 to vector<16xi32>
        %add3A_73 = arith.addi %iota3A, %add3A_72 : vector<16xi32>
        %gather3A = tpu.vector_load_idx %arg5[%add3A_73, %add3A_54] : memref<512x128xi32, #tpu.memory_space<vmem>>[vector<16xi32>, vector<16xi32>], vector<16xi32>,
        %mul3A_74 = arith.constant 512 : i32
        %mul3A_75 = arith.muli %scan3A_50, %mul3A_74 : i32
        %mul3A_76 = arith.constant 16 : i32
        %mul3A_77 = arith.muli %scan3A_69, %mul3A_76 : i32
        %add3A_78 = arith.addi %mul3A_75, %mul3A_77 : i32
        %swap3A = arith.index_cast %add3A_78 : i32 to index
        %swap3A_79 = tpu.vector_load %arg6[%swap3A] {strides = array<i32>} : memref<25600xi32, #tpu.memory_space<vmem>>, vector<16xi32>,
        tpu.vector_store %arg6[%swap3A], %gather3A {strides = array<i32>} : memref<25600xi32, #tpu.memory_space<vmem>>, vector<16xi32>,
      }
      %scan3A_60 = arith.constant 32 : i32
      %mul3A_61 = arith.constant 512 : i32
      %mul3A_62 = arith.muli %scan3A_50, %mul3A_61 : i32
      %dma_start3A_63 = tpu.memref_slice %arg6[%mul3A_62] : memref<25600xi32, #tpu.memory_space<vmem>> -> memref<512xi32, #tpu.memory_space<vmem>>
      %dma_start3A_64 = arith.constant 0 : i32
      %dma_start3A_65 = arith.constant 0 : i32
      %dma_start3A_66 = tpu.memref_slice %arg3[%dma_start3A_64, %dma_start3A_65] : memref<1000000x64xf32, #tpu.memory_space<hbm>> -> memref<1000000x64xf32, #tpu.memory_space<hbm>>
      tpu.enqueue_indirect_dma source(%dma_start3A_66 : memref<1000000x64xf32, #tpu.memory_space<hbm>>) target(%arg7 : memref<512x64xf32, #tpu.memory_space<vmem>>) offsets(%dma_start3A_63 : memref<512xi32, #tpu.memory_space<vmem>>) semaphore(%arg8 : memref<!tpu.dma_semaphore, #tpu.memory_space<semaphore_mem>>) {add = true}
      %ge3A = arith.constant 5 : i32
      %ge3A_67 = arith.cmpi sge, %scan3A_50, %ge3A : i32
      %convert_element_type3A = arith.extui %ge3A_67 : i1 to i32
      %cond3A = arith.constant 0 : i32
      %cond3A_68 = arith.cmpi ne, %convert_element_type3A, %cond3A : i32
      scf.if %cond3A_68 {
        %dma_wait3A_69 = arith.constant 0 : i32
        %dma_wait3A_70 = arith.constant 0 : i32
        %dma_wait3A_71 = tpu.memref_slice %arg3[%dma_wait3A_69, %dma_wait3A_70] : memref<1000000x64xf32, #tpu.memory_space<hbm>> -> memref<512x64xf32, #tpu.memory_space<hbm>>
        %dma_wait3A_72 = arith.constant 0 : i32
        %dma_wait3A_73 = arith.constant 0 : i32
        %dma_wait3A_74 = tpu.memref_slice %arg3[%dma_wait3A_72, %dma_wait3A_73] : memref<1000000x64xf32, #tpu.memory_space<hbm>> -> memref<512x64xf32, #tpu.memory_space<hbm>>
        tpu.wait_dma2 semaphore(%arg8 : memref<!tpu.dma_semaphore, #tpu.memory_space<semaphore_mem>>) src(%dma_wait3A_74 : memref<512x64xf32, #tpu.memory_space<hbm>>) dst(%arg7 : memref<512x64xf32, #tpu.memory_space<vmem>>)
      } else {
      }
    }
    %scan3A_25 = arith.constant 49 : i32
    %dma_wait3A_26 = arith.constant 0 : i32
    %dma_wait3A_27 = arith.constant 0 : i32
    %dma_wait3A_28 = tpu.memref_slice %arg3[%dma_wait3A_26, %dma_wait3A_27] : memref<1000000x64xf32, #tpu.memory_space<hbm>> -> memref<512x64xf32, #tpu.memory_space<hbm>>
    %dma_wait3A_29 = arith.constant 0 : i32
    %dma_wait3A_30 = arith.constant 0 : i32
    %dma_wait3A_31 = tpu.memref_slice %arg3[%dma_wait3A_29, %dma_wait3A_30] : memref<1000000x64xf32, #tpu.memory_space<hbm>> -> memref<512x64xf32, #tpu.memory_space<hbm>>
    tpu.wait_dma2 semaphore(%arg8 : memref<!tpu.dma_semaphore, #tpu.memory_space<semaphore_mem>>) src(%dma_wait3A_31 : memref<512x64xf32, #tpu.memory_space<hbm>>) dst(%arg7 : memref<512x64xf32, #tpu.memory_space<vmem>>)
    %dma_wait3A_32 = arith.constant 0 : i32
    %dma_wait3A_33 = arith.constant 0 : i32
    %dma_wait3A_34 = tpu.memref_slice %arg3[%dma_wait3A_32, %dma_wait3A_33] : memref<1000000x64xf32, #tpu.memory_space<hbm>> -> memref<512x64xf32, #tpu.memory_space<hbm>>
    %dma_wait3A_35 = arith.constant 0 : i32
    %dma_wait3A_36 = arith.constant 0 : i32
    %dma_wait3A_37 = tpu.memref_slice %arg3[%dma_wait3A_35, %dma_wait3A_36] : memref<1000000x64xf32, #tpu.memory_space<hbm>> -> memref<512x64xf32, #tpu.memory_space<hbm>>
    tpu.wait_dma2 semaphore(%arg8 : memref<!tpu.dma_semaphore, #tpu.memory_space<semaphore_mem>>) src(%dma_wait3A_37 : memref<512x64xf32, #tpu.memory_space<hbm>>) dst(%arg7 : memref<512x64xf32, #tpu.memory_space<vmem>>)
    %dma_wait3A_38 = arith.constant 0 : i32
    %dma_wait3A_39 = arith.constant 0 : i32
    %dma_wait3A_40 = tpu.memref_slice %arg3[%dma_wait3A_38, %dma_wait3A_39] : memref<1000000x64xf32, #tpu.memory_space<hbm>> -> memref<512x64xf32, #tpu.memory_space<hbm>>
    %dma_wait3A_41 = arith.constant 0 : i32
    %dma_wait3A_42 = arith.constant 0 : i32
    %dma_wait3A_43 = tpu.memref_slice %arg3[%dma_wait3A_41, %dma_wait3A_42] : memref<1000000x64xf32, #tpu.memory_space<hbm>> -> memref<512x64xf32, #tpu.memory_space<hbm>>
    tpu.wait_dma2 semaphore(%arg8 : memref<!tpu.dma_semaphore, #tpu.memory_space<semaphore_mem>>) src(%dma_wait3A_43 : memref<512x64xf32, #tpu.memory_space<hbm>>) dst(%arg7 : memref<512x64xf32, #tpu.memory_space<vmem>>)
    %dma_wait3A_44 = arith.constant 0 : i32
    %dma_wait3A_45 = arith.constant 0 : i32
    %dma_wait3A_46 = tpu.memref_slice %arg3[%dma_wait3A_44, %dma_wait3A_45] : memref<1000000x64xf32, #tpu.memory_space<hbm>> -> memref<512x64xf32, #tpu.memory_space<hbm>>
    %dma_wait3A_47 = arith.constant 0 : i32
    %dma_wait3A_48 = arith.constant 0 : i32
    %dma_wait3A_49 = tpu.memref_slice %arg3[%dma_wait3A_47, %dma_wait3A_48] : memref<1000000x64xf32, #tpu.memory_space<hbm>> -> memref<512x64xf32, #tpu.memory_space<hbm>>
    tpu.wait_dma2 semaphore(%arg8 : memref<!tpu.dma_semaphore, #tpu.memory_space<semaphore_mem>>) src(%dma_wait3A_49 : memref<512x64xf32, #tpu.memory_space<hbm>>) dst(%arg7 : memref<512x64xf32, #tpu.memory_space<vmem>>)
    "tpu.region"() ({
      %run_scoped3A = tpu.sem_alloc : memref<!tpu.dma_semaphore, #tpu.memory_space<semaphore_mem>>
      %dma_start3A_50 = arith.constant 0 : i32
      %dma_start3A_51 = tpu.memref_slice %arg4[%mul3A_2, %dma_start3A_50] : memref<16384x64xf32, #tpu.memory_space<hbm>> -> memref<512x64xf32, #tpu.memory_space<hbm>>
      %dma_start3A_52 = arith.constant 0 : i32
      %dma_start3A_53 = tpu.memref_slice %arg4[%mul3A_2, %dma_start3A_52] : memref<16384x64xf32, #tpu.memory_space<hbm>> -> memref<512x64xf32, #tpu.memory_space<hbm>>
      tpu.enqueue_dma source(%arg7 : memref<512x64xf32, #tpu.memory_space<vmem>>) target(%dma_start3A_53 : memref<512x64xf32, #tpu.memory_space<hbm>>) target_semaphore(%run_scoped3A : memref<!tpu.dma_semaphore, #tpu.memory_space<semaphore_mem>>)
      %dma_wait3A_54 = arith.constant 0 : i32
      %dma_wait3A_55 = tpu.memref_slice %arg4[%mul3A_2, %dma_wait3A_54] : memref<16384x64xf32, #tpu.memory_space<hbm>> -> memref<512x64xf32, #tpu.memory_space<hbm>>
      %dma_wait3A_56 = arith.constant 0 : i32
      %dma_wait3A_57 = tpu.memref_slice %arg4[%mul3A_2, %dma_wait3A_56] : memref<16384x64xf32, #tpu.memory_space<hbm>> -> memref<512x64xf32, #tpu.memory_space<hbm>>
      tpu.wait_dma2 semaphore(%run_scoped3A : memref<!tpu.dma_semaphore, #tpu.memory_space<semaphore_mem>>) src(%arg7 : memref<512x64xf32, #tpu.memory_space<vmem>>) dst(%dma_wait3A_57 : memref<512x64xf32, #tpu.memory_space<hbm>>)
      tpu.yield
    }) : () -> ()
    return
  }
}

</mosaic_0001>

<sc_bundles>
// kernel: _bag.3.cloned.1.call-start
scs
__scs_entry_jumppad:
0x0: {  	(pc) =	sbr.rel $0x88, $3  }
0x1: {  	(tag) =	ssettag $0x0;
	lr =	simm.s32 $0x1  }
0x2: {  	[smem:$0x3F9F] =	sst lr;
	_ =	strace $0xD0000000  }
0x3: {  	_ = 	snop  }
0x4: {  	_ = 	snop  }
0x5: {  	_ = 	snop  }
0x6: {  	_ = 	snop  }
0x7: {  	_ = 	snop  }
__scs_overlays_trampoline_lowered:
0x8: {  	[smem:$0x3FAE] =	sst s0  }
0x9: {  	[smem:$0x3FAF] =	sst s1  }
0xa: {  	[smem:$0x3FB0] =	sst s2  }
0xb: {  	[smem:$0x3FB1] =	sst s3  }
0xc: {  	[smem:$0x3FB2] =	sst s4  }
0xd: {  	[smem:$0x3FB3] =	sst s5  }
0xe: {  	[smem:$0x3FB4] =	sst s6  }
0xf: {  	[smem:$0x3FB5] =	sst s7  }
0x10: {  	[smem:$0x3FB6] =	sst s8  }
0x11: {  	[smem:$0x3FB7] =	sst s9;
	s0 =	simm.s32 @!p0 $0x0  }
0x12: {  	s1 =	sld [smem:$0x3F9D];
	s0 =	simm.s32 @p0 $0x1  }
0x13: {  	[smem:$0x3FB8] =	sst s0;
	s0 =	simm.s32 @!p1 $0x0  }
0x14: {  	s2 =	sld [smem:$0x3F9C];
	s0 =	simm.s32 @p1 $0x1  }
0x15: {  	[smem:$0x3FB9] =	sst s0;
	s0 =	simm.s32 @!p2 $0x0  }
0x16: {  	s3 =	sld [smem:$0x3FDB];
	s0 =	simm.s32 @p2 $0x1  }
0x17: {  	s4 =	simm.s32 $0x1BF5;
	[smem:$0x3FBB] =	sst s0  }
0x18: {  	s0 =	sld [smem:$0x3F9E];
	_ =	swait.ge [sflag:s4], $0x0  }
0x19: {  	s7 =	sld [smem:$0x3F9F]  }
0x1a: {  	s8 =	sadd.s32 $0xFFFFE003, lr  }
0x1b: {  	s9 =	sadd.s32 $0xFFFFFEF7, lr;
	s5 =	simm.s32 $0xFFFFFFFF;
	p2 =	slt.u32 s8, $0xFFFFF086  }
0x1c: {  	p1 =	slt.u32 s9, $0xF7A;
	s5 =	simm.s32 @!p2 $0x0  }
0x1d: {  	s5 =	simm.s32 @p1 $0x1;
	p0 =	seq.s32 s7, s2  }
0x1e: {  	s7 =	smul.u32 @!p0 $0xF7A, s2;
	p2 =	seq.s32 @!p0 s5, $0x0  }
0x1f: {  	s9 =	smul.u32 $0xF7A, s1;
	s8 =	simm.s32 @!p0 $0x1BF5;
	p2 =	por !p2, p0  }
0x20: {  	[sflag:s8] =	ssyncset.s32 @!p0 $0xFFFFF086;
	s6 =	sadd.s32 @!p0 s3, s7;
	s7 =	simm.s32 @!p0 $0x108  }
0x21: {  	s3 =	sadd.s32 s3, s9;
	s6 =	sadd.s32 @!p0 $0x88, s6;
	s7 =	simm.s32 @p2 $0x1082  }
0x22: {  	[simem:s7], [sflag:s8] =	dma.local @!p0 [hbm:s6], $0xF7A  }
0x23: {  	s9 =	sor.u32 $0xD0000000, s2;
	s6 =	simm.s32 $0x108;
	_ =	swait.ge @!p0 [sflag:s8], $0x0  }
0x24: {  	s3 =	sadd.s32 $0x88, s3;
	s6 =	simm.s32 @!p1 $0x1082;
	[sflag:s4] =	ssyncset.s32 $0xFFFFF086  }
0x25: {  	[simem:s6], [sflag:s4] =	dma.local [hbm:s3], $0xF7A  }
0x26: {  	[smem:$0x3F9F] =	sst s1;
	(tag) =	ssettag s2;
	_ =	strace s9  }
0x27: {  	s1 =	sld [smem:$0x3FAF]  }
0x28: {  	s2 =	sld [smem:$0x3FB0]  }
0x29: {  	s4 =	sld [smem:$0x3FB2]  }
0x2a: {  	p0 =	seq.s32 s5, $0x0;
	s5 =	sld [smem:$0x3FB3]  }
0x2b: {  	s6 =	sld [smem:$0x3FB4]  }
0x2c: {  	s7 =	sld [smem:$0x3FB5]  }
0x2d: {  	s3 =	simm.s32 $0x108;
	s8 =	sld [smem:$0x3FB6]  }
0x2e: {  	s3 =	simm.s32 @!p0 $0x1082;
	s9 =	sld [smem:$0x3FB7]  }
0x2f: {  	lr =	sadd.s32 s0, s3;
	s0 =	sld [smem:$0x3FAE]  }
0x30: {  	s3 =	sld [smem:$0x3FB1]  }
0x31: {  	[smem:$0x3FBA] =	sst s10  }
0x32: {  	s10 =	sld [smem:$0x3FB8];
	_ =	sdelay $0x3  }
0x33: {  	p0 =	seq.s32 s10, $0x1;
	s10 =	sld [smem:$0x3FBA];
	_ =	sdelay $0x3  }
0x34: {  	[smem:$0x3FBA] =	sst s10  }
0x35: {  	s10 =	sld [smem:$0x3FB9];
	_ =	sdelay $0x3  }
0x36: {  	p1 =	seq.s32 s10, $0x1;
	s10 =	sld [smem:$0x3FBA];
	_ =	sdelay $0x3  }
0x37: {  	[smem:$0x3FBA] =	sst s10  }
0x38: {  	s10 =	sld [smem:$0x3FBB]  }
0x39: {  	_ = 	snop;
	(pc) =	sbr.ind lr, $3  }
0x3a: {  	_ = 	snop  }
0x3b: {  	_ = 	snop  }
0x3c: {  	p2 =	seq.s32 s10, $0x1;
	s10 =	sld [smem:$0x3FBA]  }
0x3d: {  	_ =	shalt  }
0x3e: {  	_ =	shalt  }
0x3f: {  	_ =	shalt  }
0x40: {  	_ =	shalt  }
0x41: {  	_ =	shalt  }
0x42: {  	_ =	shalt  }
0x43: {  	_ =	shalt  }
0x44: {  	_ =	shalt  }
0x45: {  	_ =	shalt  }
0x46: {  	_ =	shalt  }
0x47: {  	_ =	shalt  }
0x48: {  	_ =	shalt  }
0x49: {  	_ =	shalt  }
0x4a: {  	_ =	shalt  }
0x4b: {  	_ =	shalt  }
0x4c: {  	_ =	shalt  }
0x4d: {  	_ =	shalt  }
0x4e: {  	_ =	shalt  }
0x4f: {  	_ =	shalt  }
0x50: {  	_ =	shalt  }
0x51: {  	_ =	shalt  }
0x52: {  	_ =	shalt  }
0x53: {  	_ =	shalt  }
0x54: {  	_ =	shalt  }
0x55: {  	_ =	shalt  }
0x56: {  	_ =	shalt  }
0x57: {  	_ =	shalt  }
0x58: {  	_ =	shalt  }
0x59: {  	_ =	shalt  }
0x5a: {  	_ =	shalt  }
0x5b: {  	_ =	shalt  }
0x5c: {  	_ =	shalt  }
0x5d: {  	_ =	shalt  }
0x5e: {  	_ =	shalt  }
0x5f: {  	_ =	shalt  }
0x60: {  	_ =	shalt  }
0x61: {  	_ =	shalt  }
0x62: {  	_ =	shalt  }
0x63: {  	_ =	shalt  }
0x64: {  	_ =	shalt  }
0x65: {  	_ =	shalt  }
0x66: {  	_ =	shalt  }
0x67: {  	_ =	shalt  }
0x68: {  	_ =	shalt  }
0x69: {  	_ =	shalt  }
0x6a: {  	_ =	shalt  }
0x6b: {  	_ =	shalt  }
0x6c: {  	_ =	shalt  }
0x6d: {  	_ =	shalt  }
0x6e: {  	_ =	shalt  }
0x6f: {  	_ =	shalt  }
0x70: {  	_ =	shalt  }
0x71: {  	_ =	shalt  }
0x72: {  	_ =	shalt  }
0x73: {  	_ =	shalt  }
0x74: {  	_ =	shalt  }
0x75: {  	_ =	shalt  }
0x76: {  	_ =	shalt  }
0x77: {  	_ =	shalt  }
0x78: {  	_ =	shalt  }
0x79: {  	_ =	shalt  }
0x7a: {  	_ =	shalt  }
0x7b: {  	_ =	shalt  }
0x7c: {  	_ =	shalt  }
0x7d: {  	_ =	shalt  }
0x7e: {  	_ =	shalt  }
0x7f: {  	_ =	shalt  }
0x80: {  	_ =	shalt  }
0x81: {  	_ =	shalt  }
0x82: {  	_ =	shalt  }
0x83: {  	_ =	shalt  }
0x84: {  	_ =	shalt  }
0x85: {  	_ =	shalt  }
0x86: {  	_ =	shalt  }
0x87: {  	_ =	shalt  }
.Lfunc_end0:
.L_simem_size_0:
called_computation_lowered:
.L_overlay_start_0:
0x88: {  	s2 =	sld [smem:$0x3FD9]  }
0x89: {  	s3 =	sld [smem:$0x3FFE];
	_ =	sdelay $0x1  }
0x8a: {  	s1 =	srdreg.scid  }
0x8b: {  	s0 =	sand.u32 $0x1, s1  }
0x8c: {  	s17 =	sshll.u32 s0, $0xA;
	s2 =	sadd.s32 s3, s2  }
0x8d: {  	s2 =	sadd.s32 s2, s17  }
0x8e: {  	[smem:$0x3FC6] =	sst s2  }
0x8f: {  	_ = 	snop  }
0x90: {  	s2 =	sld [smem:$0x3FC9]  }
0x91: {  	s18 =	sld [smem:$0x3FD0];
	(tm) =	ssettm $0x1  }
0x92: {  	s4 =	sld [smem:$0x3FFB];
	_ =	sdelay $0x3  }
0x93: {  	_ =	strace s4  }
0x94: {  	s4 =	sld [smem:$0x3FFC];
	_ =	sdelay $0x3  }
0x95: {  	_ =	strace s4  }
0x96: {  	s4 =	sld [smem:$0x3FFD];
	_ =	sdelay $0x3  }
0x97: {  	_ =	strace s4  }
0x98: {  	_ =	strace $0x8FFFFFFF  }
0x99: {  	s19 =	sld [smem:$0x3FDB];
	_ =	sdelay $0x1  }
0x9a: {  	s5 =	simm.s32 $_scs_section_size  }
0x9b: {  	s6 =	simm.s32 $_size__tile_overlayer_lowered;
	s7 =	simm.s32 $_tile_overlayer_lowered  }
0x9c: {  	s22 =	simm.s32 $0x1BFF;
	s21 =	sshll.u32 s7, $0x1;
	s4 =	sadd.s32 s5, s19  }
0x9d: {  	s8 =	simm.s32 $0x0;
	s20 =	sshll.u32 s6, $0x1;
	s6 =	sadd.s32 s21, s4  }
0x9e: {  	[timem:s8], [sflag:s22] =	dma.local [hbm:s6], s20  }
0x9f: {  	_ =	swait.ge [sflag:s22], s20  }
0xa0: {  	s5 =	ssub.s32 $0x0, s20;
	[sflag:s22] =	ssyncset.done $0x0  }
0xa1: {  	[sflag:s22] =	ssyncadd.s32 s5;
	_ =	sdelay $0x1  }
0xa2: {  	s23 =	simm.s32 $0x1B8B  }
0xa3: {  	_ =	swait.ge [sflag:s23], $0x1  }
0xa4: {  	[sflag:s23] =	ssyncset.done $0x0  }
0xa5: {  	s25 =	simm.s32 $0x1B8E;
	s24 =	sld [smem:$0x3FFE];
	[sflag:s23] =	ssyncadd.s32 $0xFFFFFFFF  }
0xa6: {  	s26 =	simm.s32 $execute0_lowered;
	[smem:$0x3FD2] =	sst s25  }
0xa7: {  	s6 =	sshll.u32 s26, $0x1;
	_ =	strace $0x80000046;
	[dreg:$0x1] =	wrdreg $0xFFFFFFFF  }
0xa8: {  	s28 =	simm.s32 $_size_execute0_lowered;
	s4 =	sadd.s32 s4, s6;
	[dreg:$0x0] =	wrdreg $0x0  }
0xa9: {  	s6 =	sshll.u32 s28, $0x1;
	[dreg:$0x2] =	wrdreg s4  }
0xaa: {  	[dreg:$0x3] =	wrdreg s6  }
0xab: {  	[dreg:$0x4] =	wrdreg $0xC0  }
0xac: {  	_ =	task [dreg:s8], $0x5FFFF  }
0xad: {  	[dreg:$0x1] =	wrdreg $0xFFFFFFFF  }
0xae: {  	[dreg:$0x0] =	wrdreg $0x60  }
0xaf: {  	[dreg:$0x2] =	wrdreg s2  }
0xb0: {  	[dreg:$0x3] =	wrdreg s24  }
0xb1: {  	[dreg:$0x4] =	wrdreg s18  }
0xb2: {  	[dreg:$0x5] =	wrdreg $0x9  }
0xb3: {  	_ =	task.clear_ibuf [dreg:s8], $0x6FFFF;
	_ =	strace $0x90000046  }
0xb4: {  	s29 =	simm.s32 $0x9;
	_ =	strace $0x80000048  }
0xb5: {  	_ =	swait.ge [sflag:s29], $0x1  }
0xb6: {  	[sflag:s29] =	ssyncadd.s32 $0xFFFFFFFF  }
0xb7: {  	_ =	strace $0x90000048  }
0xb8: {  	_ =	sfence  }
0xb9: {  	s30 =	sld [smem:$0x0];
	_ =	sdelay $0x2  }
0xba: {  	s31 =	sshll.u32 s1, $0xD;
	s1 =	sshrl.u32 s1, $0x2  }
0xbb: {  	s3 =	sand.u32 $0x4000, s31;
	s1 =	sadd.s32 s1, s30  }
0xbc: {  	s0 =	sor.u32 s3, s0;
	s1 =	sshll.u32 s1, $0x11  }
0xbd: {  	s0 =	sor.u32 s1, s0  }
0xbe: {  	s0 =	sadd.s32 $0x8F2B, s0  }
0xbf: {  	[sflag:s0] =	ssyncadd.remote.s32 $0x1  }
0xc0: {  	_ =	sfence.sel $0xFFFF  }
0xc1: {  	[dreg:$0x0] =	wrdreg $0xFFFFFFFF;
	(pc) =	sbr.abs _section_cstart, $3  }
0xc2: {  	[dreg:$0x1] =	wrdreg $0xFFFFFFFF  }
0xc3: {  	_ =	task.clear_ibuf [dreg:s8], $0x2FFFF;
	_ =	strace $0x9FFFFFFF  }
0xc4: {  	(tm) =	ssettm $0x7FFFFFFF  }
0xc5: {  	_ =	shalt  }
tec
execute0_lowered:
.L_overlay_start_1:
0x0: {  	(tag) =	ssettag $0x1  }
0x1: {  	s4 =	rddreg [dreg:$0x0]  }
0x2: {  	s3 =	rddreg [dreg:$0x1]  }
0x3: {  	s5 =	rddreg [dreg:$0x2]  }
0x4: {  	s0 =	rddreg [dreg:$0x3]  }
0x5: {  	s2 =	simm.s32 $0x0;
	s6 =	srdreg.scid;
	s1 =	stileid.u32  }
0x6: {  	s10 =	simm.s32 $0x16400;
	s11 =	simm.s32 $0x1;
	s12 =	simm.s32 $0x0  }
0x7: {  	[smem:$0x7FF] =	sst s2;
	s6 =	sand.u32 $0x1, s6;
	s8 =	sshll.u32 s1, $0xA  }
0x8: {  	s3 =	sadd.s32 $0xF42800, s3;
	s7 =	ssub.s32 $0x2, s6;
	s6 =	sshll.u32 s6, $0x9  }
0x9: {  	_ =	strace $0x80000047;
	s9 =	sshrl.u32 s7, $0x1;
	s6 =	sor.u32 s6, s8  }
0xa: {  	s7 =	ssub.s32 s7, s9;
	s8 =	sshll.u32 s6, $0x4;
	s6 =	sshll.u32 s6, $0x3  }
0xb: {  	v0 =	vlaneseq.u32;
	s9 =	simm.s32 $0x10000;
	s4 =	sadd.s32 s4, s8;
	s5 =	sadd.s32 s5, s6  }
0xc: {  	v0 =	vmul.u32 $0x80, v0;
	s6 =	smax.u32 s7, $0x1;
	s7 =	simm.s32 $0x2;
	s8 =	simm.s32 $0x200  }
.LBB2_1:
0xd: {  	v1 =	vmov s2  }
0xe: {  	v1 =	vshll.u32 v1, $0x7  }
0xf: {  	v1 =	vor.u32 v0, v1  }
0x10: {  	[tilespmem:s2], [sflag:$0x2] =	stream.linear.gather [hbm4b:s4+s2], $0x10000, $0x38;
	[tilespmem:$0x1E400] =	vst v63  }
0x11: {  	_ =	swait.ge [sflag:s7], $0x10000  }
0x12: {  	s13 =	simm.s32 $0x10;
	[sflag:s7] =	ssyncset.done $0x0  }
0x13: {  	v2 =	vmov s13;
	[sflag:s7] =	ssyncadd.s32 $0xFFFF0000  }
0x14: {  	v2 =	vshll.u32 v2, $0x7;
	v1 =	vld.idx.msk [tilespmem:v1+s2+$0x0], $0xffff  }
0x15: {  	v3 =	vor.u32 v0, v2;
	_ =	sdelay $0x3  }
0x16: {  	s31 =	simm.s32 $0x20;
	[tilespmem:s9+$0x0] =	vst v1  }
0x17: {  	s14 =	simm.s32 $0x30;
	s13 =	simm.s32 $0x10000;
	v2 =	vmov s31;
	v1 =	vld.idx.msk [tilespmem:v3+s2+$0x0], $0xffff  }
.LBB2_2:
0x18: {  	p0 =	sne.s32 s14, $0x1F0;
	v2 =	vshll.u32 v2, $0x7  }
0x19: {  	v3 =	vor.u32 v0, v2  }
.Ltmp0:
0x1a: {  	(pc) =	sbr.rel @p0 .LBB2_2-.Ltmp0, $4  }
0x1b: {  	_ = 	snop  }
0x1c: {  	s13 =	sadd.s32 $0x10, s13  }
0x1d: {  	[tilespmem:s13+$0x0] =	vst v1  }
0x1e: {  	v2 =	vmov s14;
	s14 =	sadd.s32 $0x10, s14;
	v1 =	vld.idx.msk [tilespmem:v3+s2+$0x0], $0xffff  }
0x1f: {  	v2 =	vshll.u32 v2, $0x7  }
0x20: {  	v2 =	vor.u32 v0, v2;
	_ =	sdelay $0x2  }
0x21: {  	s13 =	sadd.s32 $0x10, s13  }
0x22: {  	[tilespmem:s13+$0x0] =	vst v1  }
0x23: {  	v1 =	vld.idx.msk [tilespmem:v2+s2+$0x0], $0xffff;
	_ =	sdelay $0x3  }
0x24: {  	s13 =	sadd.s32 $0x10, s13  }
0x25: {  	[tilespmem:s13+$0x0] =	vst v1;
	s13 =	simm.s32 $0x1  }
0x26: {  	[tilespmem:s10], [sflag:$0x1] =	stream.indirect.gather [hbm4b:s3+s8], $0x40, s9, s8, $0xb8;
	[tilespmem:$0x1E400] =	vst v63  }
0x27: {  	_ =	swait.ge [sflag:s13], $0x8000  }
0x28: {  	[sflag:s13] =	ssyncset.done $0x0  }
0x29: {  	s14 =	simm.s32 $0x10200;
	[sflag:s13] =	ssyncadd.s32 $0xFFFF8000  }
.LBB2_4:
0x2a: {  	v1 =	vmov s13;
	s15 =	simm.s32 $0x0  }
0x2b: {  	v1 =	vand.u32 $0x3F, v1;
	v2 =	vmov s15  }
0x2c: {  	v1 =	vbroadcast v1, $0x0;
	v2 =	vshll.u32 v2, $0x7  }
0x2d: {  	v2 =	vor.u32 v0, v2  }
0x2e: {  	v2 =	vor.u32 v1, v2;
	_ =	sdelay $0x3  }
0x2f: {  	s30 =	simm.s32 $0x10  }
0x30: {  	v4 =	vld.idx.msk [tilespmem:v2+s2+$0x0], $0xffff;
	v2 =	vmov s30  }
0x31: {  	v2 =	vshll.u32 v2, $0x7  }
0x32: {  	v2 =	vor.u32 v0, v2  }
0x33: {  	v2 =	vor.u32 v1, v2;
	_ =	sdelay $0x1  }
0x34: {  	s31 =	sshll.u32 s13, $0x9  }
0x35: {  	s16 =	simm.s32 $0x20;
	s15 =	sand.u32 $0x3FFFFE00, s31  }
0x36: {  	s17 =	simm.s32 $0x30;
	v3 =	vmov s16;
	s16 =	smov.u32 s14;
	s15 =	sadd.s32 $0x10000, s15;
	[tilespmem:s14+$0x0] =	vst v4  }
.LBB2_5:
0x37: {  	p0 =	sne.s32 s17, $0x1F0;
	v3 =	vshll.u32 v3, $0x7;
	v4 =	vld.idx.msk [tilespmem:v2+s2+$0x0], $0xffff  }
0x38: {  	v2 =	vor.u32 v0, v3  }
.Ltmp1:
0x39: {  	v2 =	vor.u32 v1, v2;
	(pc) =	sbr.rel @p0 .LBB2_5-.Ltmp1, $3  }
0x3a: {  	_ =	sdelay $0x1  }
0x3b: {  	s16 =	sadd.s32 $0x10, s16  }
0x3c: {  	v3 =	vmov s17;
	s17 =	sadd.s32 $0x10, s17;
	[tilespmem:s16+$0x0] =	vst v4  }
0x3d: {  	_ =	sdelay $0x2  }
0x3e: {  	v3 =	vshll.u32 v3, $0x7  }
0x3f: {  	v2 =	vld.idx.msk [tilespmem:v2+s2+$0x0], $0xffff;
	v3 =	vor.u32 v0, v3  }
0x40: {  	v1 =	vor.u32 v1, v3;
	_ =	sdelay $0x2  }
0x41: {  	s16 =	sadd.s32 $0x10, s16  }
0x42: {  	[tilespmem:s16+$0x0] =	vst v2  }
0x43: {  	v1 =	vld.idx.msk [tilespmem:v1+s2+$0x0], $0xffff;
	_ =	sdelay $0x3  }
0x44: {  	p0 =	slt.u32 s13, $0x5;
	s13 =	sadd.s32 $0x1, s13;
	s16 =	sadd.s32 $0x10, s16  }
0x45: {  	p1 =	sne.s32 s13, $0x32;
	[tilespmem:s16+$0x0] =	vst v1  }
0x46: {  	[tilespmem:s10], [sflag:$0x1] =	stream.indirect.gather.add.f32 [hbm:s3], $0x40, s15, s8, $0xb8;
	[tilespmem:$0x1E400] =	vst v63  }
.Ltmp2:
0x47: {  	_ = 	snop;
	(pc) =	sbr.rel @p1 .LBB2_4-.Ltmp2, $4  }
0x48: {  	s15 =	simm.s32 @!p0 $0x1  }
0x49: {  	_ =	swait.ge @!p0 [sflag:s15], $0x8000  }
0x4a: {  	[sflag:s15] =	ssyncset.done @!p0 $0x0  }
0x4b: {  	s14 =	sadd.s32 $0x200, s14;
	[sflag:s15] =	ssyncadd.s32 @!p0 $0xFFFF8000  }
0x4c: {  	_ =	swait.ge [sflag:s11], $0x8000  }
0x4d: {  	[sflag:s11] =	ssyncset.done $0x0  }
0x4e: {  	[sflag:s11] =	ssyncadd.s32 $0xFFFF8000  }
0x4f: {  	_ =	swait.ge [sflag:s11], $0x8000  }
0x50: {  	[sflag:s11] =	ssyncset.done $0x0  }
0x51: {  	[sflag:s11] =	ssyncadd.s32 $0xFFFF8000  }
0x52: {  	_ =	swait.ge [sflag:s11], $0x8000  }
0x53: {  	[sflag:s11] =	ssyncset.done $0x0  }
0x54: {  	[sflag:s11] =	ssyncadd.s32 $0xFFFF8000  }
0x55: {  	s12 =	sadd.s32 $0x1, s12;
	_ =	swait.ge [sflag:s11], $0x8000  }
0x56: {  	p0 =	sne.s32 s12, s6;
	[sflag:s11] =	ssyncset.done $0x0  }
.Ltmp3:
0x57: {  	[sflag:s11] =	ssyncadd.s32 $0xFFFF8000;
	(pc) =	sbr.rel @p0 .LBB2_1-.Ltmp3, $4  }
0x58: {  	[hbm4b:s5+s2] =	stream.linear.scatter [tilespmem:s10], [sflag:$0x2], $0x8000, $0x38;
	[tilespmem:$0x1E400] =	vst v63  }
0x59: {  	_ =	swait.ge [sflag:s7], $0x8000  }
0x5a: {  	[sflag:s7] =	ssyncset.done $0x0  }
0x5b: {  	[sflag:s7] =	ssyncadd.s32 $0xFFFF8000  }
0x5c: {  	_ =	sfence.sel $0x180000  }
0x5d: {  	[bflag:$0x0] =	sbarrier.arrive $0xFFFF  }
0x5e: {  	p0 =	sne.s32 s1, $0x0;
	_ =	strace $0x90000047  }
0x5f: {  	s0 =	sadd.s32 @!p0 $0x100000, s0;
	[bflag:$0x2] =	sbarrier.arrive $0xFFFF  }
0x60: {  	[sflag:s0] =	ssyncadd.tile.s32 @!p0 $0x1;
	_ =	shalt  }
.Lfunc_end2:
_tile_overlayer_lowered:
.L_overlay_start_2:
0x61: {  	(tag) =	ssettag $0x2  }
0x62: {  	s0 =	rddreg [dreg:$0x0];
	s2 =	stileid.u32  }
0x63: {  	s1 =	rddreg [dreg:$0x1];
	p0 =	sne.s32 s2, $0x0  }
0x64: {  	s3 =	rddreg [dreg:$0x2];
	[bflag:$0x3] =	sbarrier.arrive $0xFFFF;
	s2 =	simm.s32 @!p0 $0x1C02  }
0x65: {  	[timem:s3], [sflag:s2] =	dma.local @!p0 [hbm:s0], s1  }
0x66: {  	s0 =	simm.s32 @!p0 $0x2  }
0x67: {  	_ =	swait.ge @!p0 [sflag:s0], s1  }
0x68: {  	s1 =	ssub.s32 @!p0 $0x0, s1;
	[sflag:s0] =	ssyncset.done @!p0 $0x0  }
0x69: {  	[sflag:s0] =	ssyncadd.s32 @!p0 s1  }
0x6a: {  	[bflag:$0x3] =	sbarrier.arrive $0xFFFF  }
0x6b: {  	_ =	shalt  }

</sc_bundles>
